<compile_context>
chip_gen: v7x
topology: tpu7x:2x2x1
jax: 0.10.2.dev20260603
libtpu: 0.0.44.dev20260713+nightly
codegen_flags: <defaults>
</compile_context>

<pallas_src>
import functools

import jax
import jax.numpy as jnp
from jax import lax
from jax.experimental import pallas as pl
from jax.experimental.pallas import tpu as pltpu
from jax.experimental.pallas import tpu_sc as plsc

N = 10000
D = 128
E = 320000

NC = 2
NS = 16
NW = NC * NS

CHUNK = 128
NBUF = 3
NIDX = 4
NCHUNKS = E // CHUNK
CPT_LO = NCHUNKS // NW
REM = NCHUNKS - CPT_LO * NW

NPAD = 10112
RPT = NPAD // NS

_MESH = plsc.VectorSubcoreMesh(core_axis_name="c", subcore_axis_name="s")


@functools.partial(
    pl.kernel,
    out_type=jax.ShapeDtypeStruct((NC, NPAD, D), jnp.float32),
    mesh=_MESH,
    scratch_types=[
        pltpu.VMEM((NIDX, 2, CHUNK), jnp.int32),
        pltpu.VMEM((NBUF, CHUNK, D), jnp.float32),
        pltpu.VMEM_SHARED((NPAD, D), jnp.float32),
        pltpu.SemaphoreType.DMA((NIDX,)),
        pltpu.SemaphoreType.DMA((NBUF,)),
    ],
)
def _sc_aggregate(x_hbm, edges_hbm, zeros_hbm, out_hbm,
                  sd, rows, acc_sh, isems, gsems):
    c = lax.axis_index("c")
    s = lax.axis_index("s")
    row0 = s * RPT
    wid = c * NS + s
    nch = CPT_LO + jnp.where(wid < REM, 1, 0)
    cbase = wid * CPT_LO + jnp.minimum(wid, REM)

    pltpu.sync_copy(zeros_hbm.at[pl.ds(row0, RPT), :],
                    acc_sh.at[pl.ds(row0, RPT), :])
    plsc.subcore_barrier()

    def idx_start(i):
        slot = lax.rem(i, NIDX)
        pltpu.async_copy(edges_hbm.at[cbase + i], sd.at[slot], isems.at[slot])

    def idx_wait(i):
        slot = lax.rem(i, NIDX)
        pltpu.make_async_copy(edges_hbm.at[cbase + i], sd.at[slot],
                              isems.at[slot]).wait()

    def gather_start(i):
        slot = lax.rem(i, NIDX)
        b = lax.rem(i, NBUF)
        pltpu.async_copy(x_hbm.at[sd.at[slot, 0]], rows.at[b], gsems.at[b])

    def gather_wait(i):
        slot = lax.rem(i, NIDX)
        b = lax.rem(i, NBUF)
        pltpu.make_async_copy(x_hbm.at[sd.at[slot, 0]], rows.at[b],
                              gsems.at[b]).wait()

    def scatter(i):
        slot = lax.rem(i, NIDX)
        b = lax.rem(i, NBUF)
        pltpu.sync_copy(rows.at[b], acc_sh.at[sd.at[slot, 1]], add=True)

    def prol_idx(i, carry):
        idx_start(i)
        return carry

    lax.fori_loop(0, NIDX, prol_idx, 0)

    def prol_gather(i, carry):
        idx_wait(i)
        gather_start(i)
        return carry

    lax.fori_loop(0, NBUF, prol_gather, 0)

    def visit(i, carry):
        gather_wait(i)
        scatter(i)

        @pl.when(i + NIDX < nch)
        def _():
            idx_start(i + NIDX)

        @pl.when(i + NBUF < nch)
        def _():
            idx_wait(i + NBUF)
            gather_start(i + NBUF)

        return carry

    lax.fori_loop(0, nch, visit, 0)

    plsc.subcore_barrier()

    pltpu.sync_copy(acc_sh.at[pl.ds(row0, RPT), :],
                    out_hbm.at[c, pl.ds(row0, RPT), :])


BM = 1000


def _merge_body(p_ref, w_ref, b_ref, o_ref):
    acc = p_ref[0] + p_ref[1]
    o_ref[...] = lax.dot_general(
        acc, w_ref[...], (((1,), (1,)), ((), ())),
        preferred_element_type=jnp.float32) + b_ref[...]


def _merge(partial, w, b2d):
    return pl.pallas_call(
        _merge_body,
        grid=(N // BM,),
        in_specs=[
            pl.BlockSpec((NC, BM, D), lambda i: (0, i, 0)),
            pl.BlockSpec((D, D), lambda i: (0, 0)),
            pl.BlockSpec((1, D), lambda i: (0, 0)),
        ],
        out_specs=pl.BlockSpec((BM, D), lambda i: (i, 0)),
        out_shape=jax.ShapeDtypeStruct((N, D), jnp.float32),
    )(partial, w, b2d)


def kernel(x, edge_index, W, b):
    zeros = jnp.zeros((NPAD, D), jnp.float32)
    ei = edge_index.astype(jnp.int32).reshape(2, NCHUNKS, CHUNK)
    ei = jnp.swapaxes(ei, 0, 1)
    partial = _sc_aggregate(x, ei, zeros)
    return _merge(partial, W, b.reshape(1, D))

# --- scband reference (transcript-rebuilt; emitter-appended) ---
"""Pipeline reference for scband-mgn-50886772523302 (READ-ONLY COPY).

The authoritative reference and input builder live on the scoring server;
editing this copy changes nothing except your own understanding.
"""

import jax, jax.numpy as jnp
import numpy as np

N_NODES = 10000
N_EDGES = 320000
HIDDEN = 128

def setup_inputs(seed: int = 0) -> dict:
    key = jax.random.key(seed)
    k1, k2, k3, k4, k5 = jax.random.split(key, 5)
    x = jax.random.normal(k1, (N_NODES, HIDDEN), dtype=jnp.float32)
    src = jax.random.randint(k2, (N_EDGES,), 0, N_NODES, dtype=jnp.int64)
    dst = jax.random.randint(k3, (N_EDGES,), 0, N_NODES, dtype=jnp.int64)
    edge_index = jnp.stack([src, dst], axis=0)
    # merge_linner: nn.Linear(hidden_dim, hidden_dim)
    limit = 1.0 / np.sqrt(HIDDEN)
    W = jax.random.uniform(k4, (HIDDEN, HIDDEN), minval=-limit, maxval=limit, dtype=jnp.float32)
    b = jax.random.uniform(k5, (HIDDEN,), minval=-limit, maxval=limit, dtype=jnp.float32)
    return {"x": x, "edge_index": edge_index, "W": W, "b": b}

def reference(x, edge_index, W, b):
    # DGL update_all semantics:
    #   message: m = h[src]
    #   reduce:  h[dst] = Linear(sum of mailbox messages)
    src = edge_index[0]
    dst = edge_index[1]
    msgs = jnp.take(x, src, axis=0)                      # gather src features [E, d]
    accum = jnp.zeros((x.shape[0], x.shape[1]), dtype=x.dtype).at[dst].add(msgs)  # scatter-add by dst
    out = accum @ W.T + b                                 # merge_linner
    return out

if __name__ == "__main__":
    import jax
    _d = setup_inputs()
    print(jax.jit(kernel)(*tuple(_d.values())))

</pallas_src>

<mosaic_0001>
#map = affine_map<(d0, d1) -> (0, 0)>
#map1 = affine_map<(d0, d1) -> (0, 0, 0)>
module attributes {stable_mosaic.version = 14 : i64} {
  func.func @_sc_aggregate(%arg0: i32, %arg1: i32, %arg2: memref<10000x128xf32, #tpu.memory_space<hbm>>, %arg3: memref<2500x2x128xi32, #tpu.memory_space<hbm>>, %arg4: memref<10112x128xf32, #tpu.memory_space<hbm>>, %arg5: memref<2x10112x128xf32, #tpu.memory_space<hbm>>, %arg6: memref<4x2x128xi32, #tpu.memory_space<vmem>>, %arg7: memref<3x128x128xf32, #tpu.memory_space<vmem>>, %arg8: memref<10112x128xf32, #tpu.memory_space<vmem_shared>>, %arg9: memref<4x!tpu.dma_semaphore, #tpu.memory_space<semaphore_mem>>, %arg10: memref<3x!tpu.dma_semaphore, #tpu.memory_space<semaphore_mem>>) attributes {dimension_semantics = [#tpu.dimension_semantics<core_parallel>, #tpu.dimension_semantics<subcore_parallel>], iteration_bounds = array<i64: 2, 16>, scalar_prefetch = 0 : i64, scratch_operands = 5 : i64, tpu.core_type = #tpu.core_type<sc_vector_subcore>, window_params = [{transform_indices = #map}, {transform_indices = #map1}, {transform_indices = #map}, {transform_indices = #map1}]} {
    %mul3A = arith.constant 632 : i32
    %mul3A_0 = arith.muli %arg1, %mul3A : i32
    %mul3A_1 = arith.constant 16 : i32
    %mul3A_2 = arith.muli %arg0, %mul3A_1 : i32
    %add3A = arith.addi %mul3A_2, %arg1 : i32
    %lt3A = arith.constant 4 : i32
    %lt3A_3 = arith.cmpi slt, %add3A, %lt3A : i32
    %jit3A = arith.constant 1 : i32
    %jit3A_4 = arith.constant 0 : i32
    %select_n3A = arith.select %lt3A_3, %jit3A, %jit3A_4 : i32
    %add3A_5 = arith.constant 78 : i32
    %add3A_6 = arith.addi %add3A_5, %select_n3A : i32
    %mul3A_7 = arith.constant 78 : i32
    %mul3A_8 = arith.muli %add3A, %mul3A_7 : i32
    %min3A = arith.constant 4 : i32
    %min3A_9 = arith.minsi %add3A, %min3A : i32
    %add3A_10 = arith.addi %mul3A_8, %min3A_9 : i32
    "tpu.region"() ({
      %run_scoped3A = tpu.sem_alloc : memref<!tpu.dma_semaphore, #tpu.memory_space<semaphore_mem>>
      %dma_start3A = arith.constant 0 : i32
      %dma_start3A_32 = tpu.memref_slice %arg8[%mul3A_0, %dma_start3A] : memref<10112x128xf32, #tpu.memory_space<vmem_shared>> -> memref<632x128xf32, #tpu.memory_space<vmem_shared>>
      %dma_start3A_33 = arith.constant 0 : i32
      %dma_start3A_34 = tpu.memref_slice %arg4[%mul3A_0, %dma_start3A_33] : memref<10112x128xf32, #tpu.memory_space<hbm>> -> memref<632x128xf32, #tpu.memory_space<hbm>>
      tpu.enqueue_dma source(%dma_start3A_34 : memref<632x128xf32, #tpu.memory_space<hbm>>) target(%dma_start3A_32 : memref<632x128xf32, #tpu.memory_space<vmem_shared>>) target_semaphore(%run_scoped3A : memref<!tpu.dma_semaphore, #tpu.memory_space<semaphore_mem>>)
      %dma_wait3A = arith.constant 0 : i32
      %dma_wait3A_35 = tpu.memref_slice %arg8[%mul3A_0, %dma_wait3A] : memref<10112x128xf32, #tpu.memory_space<vmem_shared>> -> memref<632x128xf32, #tpu.memory_space<vmem_shared>>
      %dma_wait3A_36 = arith.constant 0 : i32
      %dma_wait3A_37 = tpu.memref_slice %arg4[%mul3A_0, %dma_wait3A_36] : memref<10112x128xf32, #tpu.memory_space<hbm>> -> memref<632x128xf32, #tpu.memory_space<hbm>>
      tpu.wait_dma2 semaphore(%run_scoped3A : memref<!tpu.dma_semaphore, #tpu.memory_space<semaphore_mem>>) src(%dma_wait3A_37 : memref<632x128xf32, #tpu.memory_space<hbm>>) dst(%dma_wait3A_35 : memref<632x128xf32, #tpu.memory_space<vmem_shared>>)
      tpu.yield
    }) : () -> ()
    %barrier3A = arith.constant 0 : index
    tpu.barrier barrier_id(%barrier3A)
    %scan3A = arith.constant 0 : i32
    %scan3A_11 = arith.constant 0 : i32
    %scan3A_12 = arith.constant 4 : i32
    %scan3A_13 = arith.addi %scan3A_11, %scan3A_12 : i32
    %scan3A_14 = arith.constant 1 : i32
    scf.for %scan3A_32 = %scan3A_11 to %scan3A_13 step %scan3A_14  : i32 {
      %rem3A = arith.constant 4 : i32
      %rem3A_33 = arith.remsi %scan3A_32, %rem3A : i32
      %add3A_34 = arith.addi %add3A_10, %scan3A_32 : i32
      %dma_start3A = arith.constant 0 : i32
      %dma_start3A_35 = arith.constant 0 : i32
      %dma_start3A_36 = tpu.memref_slice %arg6[%rem3A_33, %dma_start3A, %dma_start3A_35] : memref<4x2x128xi32, #tpu.memory_space<vmem>> -> memref<1x2x128xi32, #tpu.memory_space<vmem>>
      %dma_start3A_37 = tpu.memref_squeeze %dma_start3A_36 : memref<1x2x128xi32, #tpu.memory_space<vmem>> -> memref<2x128xi32, #tpu.memory_space<vmem>>
      %dma_start3A_38 = arith.constant 0 : i32
      %dma_start3A_39 = arith.constant 0 : i32
      %dma_start3A_40 = tpu.memref_slice %arg3[%add3A_34, %dma_start3A_38, %dma_start3A_39] : memref<2500x2x128xi32, #tpu.memory_space<hbm>> -> memref<1x2x128xi32, #tpu.memory_space<hbm>>
      %dma_start3A_41 = tpu.memref_squeeze %dma_start3A_40 : memref<1x2x128xi32, #tpu.memory_space<hbm>> -> memref<2x128xi32, #tpu.memory_space<hbm>>
      %dma_start3A_42 = tpu.memref_slice %arg9[%rem3A_33] : memref<4x!tpu.dma_semaphore, #tpu.memory_space<semaphore_mem>> -> memref<1x!tpu.dma_semaphore, #tpu.memory_space<semaphore_mem>>
      %dma_start3A_43 = tpu.memref_squeeze %dma_start3A_42 : memref<1x!tpu.dma_semaphore, #tpu.memory_space<semaphore_mem>> -> memref<!tpu.dma_semaphore, #tpu.memory_space<semaphore_mem>>
      %dma_start3A_44 = arith.constant 0 : i32
      %dma_start3A_45 = arith.constant 0 : i32
      %dma_start3A_46 = tpu.memref_slice %arg6[%rem3A_33, %dma_start3A_44, %dma_start3A_45] : memref<4x2x128xi32, #tpu.memory_space<vmem>> -> memref<1x2x128xi32, #tpu.memory_space<vmem>>
      %dma_start3A_47 = tpu.memref_squeeze %dma_start3A_46 : memref<1x2x128xi32, #tpu.memory_space<vmem>> -> memref<2x128xi32, #tpu.memory_space<vmem>>
      %dma_start3A_48 = arith.constant 0 : i32
      %dma_start3A_49 = arith.constant 0 : i32
      %dma_start3A_50 = tpu.memref_slice %arg3[%add3A_34, %dma_start3A_48, %dma_start3A_49] : memref<2500x2x128xi32, #tpu.memory_space<hbm>> -> memref<1x2x128xi32, #tpu.memory_space<hbm>>
      %dma_start3A_51 = tpu.memref_squeeze %dma_start3A_50 : memref<1x2x128xi32, #tpu.memory_space<hbm>> -> memref<2x128xi32, #tpu.memory_space<hbm>>
      tpu.enqueue_dma source(%dma_start3A_51 : memref<2x128xi32, #tpu.memory_space<hbm>>) target(%dma_start3A_47 : memref<2x128xi32, #tpu.memory_space<vmem>>) target_semaphore(%dma_start3A_43 : memref<!tpu.dma_semaphore, #tpu.memory_space<semaphore_mem>>)
    }
    %scan3A_15 = arith.constant 4 : i32
    %scan3A_16 = arith.constant 0 : i32
    %scan3A_17 = arith.constant 0 : i32
    %scan3A_18 = arith.constant 3 : i32
    %scan3A_19 = arith.addi %scan3A_17, %scan3A_18 : i32
    %scan3A_20 = arith.constant 1 : i32
    scf.for %scan3A_32 = %scan3A_17 to %scan3A_19 step %scan3A_20  : i32 {
      %rem3A = arith.constant 4 : i32
      %rem3A_33 = arith.remsi %scan3A_32, %rem3A : i32
      %add3A_34 = arith.addi %add3A_10, %scan3A_32 : i32
      %dma_wait3A = arith.constant 0 : i32
      %dma_wait3A_35 = arith.constant 0 : i32
      %dma_wait3A_36 = tpu.memref_slice %arg6[%rem3A_33, %dma_wait3A, %dma_wait3A_35] : memref<4x2x128xi32, #tpu.memory_space<vmem>> -> memref<1x2x128xi32, #tpu.memory_space<vmem>>
      %dma_wait3A_37 = tpu.memref_squeeze %dma_wait3A_36 : memref<1x2x128xi32, #tpu.memory_space<vmem>> -> memref<2x128xi32, #tpu.memory_space<vmem>>
      %dma_wait3A_38 = arith.constant 0 : i32
      %dma_wait3A_39 = arith.constant 0 : i32
      %dma_wait3A_40 = tpu.memref_slice %arg3[%add3A_34, %dma_wait3A_38, %dma_wait3A_39] : memref<2500x2x128xi32, #tpu.memory_space<hbm>> -> memref<1x2x128xi32, #tpu.memory_space<hbm>>
      %dma_wait3A_41 = tpu.memref_squeeze %dma_wait3A_40 : memref<1x2x128xi32, #tpu.memory_space<hbm>> -> memref<2x128xi32, #tpu.memory_space<hbm>>
      %dma_wait3A_42 = tpu.memref_slice %arg9[%rem3A_33] : memref<4x!tpu.dma_semaphore, #tpu.memory_space<semaphore_mem>> -> memref<1x!tpu.dma_semaphore, #tpu.memory_space<semaphore_mem>>
      %dma_wait3A_43 = tpu.memref_squeeze %dma_wait3A_42 : memref<1x!tpu.dma_semaphore, #tpu.memory_space<semaphore_mem>> -> memref<!tpu.dma_semaphore, #tpu.memory_space<semaphore_mem>>
      %dma_wait3A_44 = arith.constant 0 : i32
      %dma_wait3A_45 = arith.constant 0 : i32
      %dma_wait3A_46 = tpu.memref_slice %arg6[%rem3A_33, %dma_wait3A_44, %dma_wait3A_45] : memref<4x2x128xi32, #tpu.memory_space<vmem>> -> memref<1x2x128xi32, #tpu.memory_space<vmem>>
      %dma_wait3A_47 = tpu.memref_squeeze %dma_wait3A_46 : memref<1x2x128xi32, #tpu.memory_space<vmem>> -> memref<2x128xi32, #tpu.memory_space<vmem>>
      %dma_wait3A_48 = arith.constant 0 : i32
      %dma_wait3A_49 = arith.constant 0 : i32
      %dma_wait3A_50 = tpu.memref_slice %arg3[%add3A_34, %dma_wait3A_48, %dma_wait3A_49] : memref<2500x2x128xi32, #tpu.memory_space<hbm>> -> memref<1x2x128xi32, #tpu.memory_space<hbm>>
      %dma_wait3A_51 = tpu.memref_squeeze %dma_wait3A_50 : memref<1x2x128xi32, #tpu.memory_space<hbm>> -> memref<2x128xi32, #tpu.memory_space<hbm>>
      tpu.wait_dma2 semaphore(%dma_wait3A_43 : memref<!tpu.dma_semaphore, #tpu.memory_space<semaphore_mem>>) src(%dma_wait3A_51 : memref<2x128xi32, #tpu.memory_space<hbm>>) dst(%dma_wait3A_47 : memref<2x128xi32, #tpu.memory_space<vmem>>)
      %rem3A_52 = arith.constant 4 : i32
      %rem3A_53 = arith.remsi %scan3A_32, %rem3A_52 : i32
      %rem3A_54 = arith.constant 3 : i32
      %rem3A_55 = arith.remsi %scan3A_32, %rem3A_54 : i32
      %dma_start3A = arith.constant 0 : i32
      %dma_start3A_56 = arith.constant 0 : i32
      %dma_start3A_57 = arith.constant 0 : i32
      %dma_start3A_58 = tpu.memref_slice %arg7[%rem3A_55, %dma_start3A_56, %dma_start3A_57] : memref<3x128x128xf32, #tpu.memory_space<vmem>> -> memref<1x128x128xf32, #tpu.memory_space<vmem>>
      %dma_start3A_59 = tpu.memref_squeeze %dma_start3A_58 : memref<1x128x128xf32, #tpu.memory_space<vmem>> -> memref<128x128xf32, #tpu.memory_space<vmem>>
      %dma_start3A_60 = arith.constant 0 : i32
      %dma_start3A_61 = tpu.memref_slice %arg6[%rem3A_53, %dma_start3A, %dma_start3A_60] : memref<4x2x128xi32, #tpu.memory_space<vmem>> -> memref<1x1x128xi32, #tpu.memory_space<vmem>>
      %dma_start3A_62 = tpu.memref_squeeze %dma_start3A_61 : memref<1x1x128xi32, #tpu.memory_space<vmem>> -> memref<128xi32, #tpu.memory_space<vmem>>
      %dma_start3A_63 = arith.constant 0 : i32
      %dma_start3A_64 = arith.constant 0 : i32
      %dma_start3A_65 = tpu.memref_slice %arg2[%dma_start3A_63, %dma_start3A_64] : memref<10000x128xf32, #tpu.memory_space<hbm>> -> memref<10000x128xf32, #tpu.memory_space<hbm>>
      %dma_start3A_66 = tpu.memref_slice %arg10[%rem3A_55] : memref<3x!tpu.dma_semaphore, #tpu.memory_space<semaphore_mem>> -> memref<1x!tpu.dma_semaphore, #tpu.memory_space<semaphore_mem>>
      %dma_start3A_67 = tpu.memref_squeeze %dma_start3A_66 : memref<1x!tpu.dma_semaphore, #tpu.memory_space<semaphore_mem>> -> memref<!tpu.dma_semaphore, #tpu.memory_space<semaphore_mem>>
      tpu.enqueue_indirect_dma source(%dma_start3A_65 : memref<10000x128xf32, #tpu.memory_space<hbm>>) target(%dma_start3A_59 : memref<128x128xf32, #tpu.memory_space<vmem>>) offsets(%dma_start3A_62 : memref<128xi32, #tpu.memory_space<vmem>>) semaphore(%dma_start3A_67 : memref<!tpu.dma_semaphore, #tpu.memory_space<semaphore_mem>>)
    }
    %scan3A_21 = arith.constant 3 : i32
    %while3A = arith.constant 0 : i32
    %while3A_22 = arith.constant 0 : i32
    %while3A_23 = arith.subi %add3A_6, %while3A_22 : i32
    %while3A_24 = arith.addi %while3A_22, %while3A_23 : i32
    %while3A_25 = arith.constant 1 : i32
    %while3A_26 = arith.divsi %while3A_23, %while3A_25 : i32
    %while3A_27 = arith.muli %while3A_26, %while3A_25 : i32
    %while3A_28 = arith.addi %while3A_22, %while3A_27 : i32
    %while3A_29 = arith.constant 1 : i32
    scf.for %while3A_32 = %while3A_22 to %while3A_28 step %while3A_29  : i32 {
      %rem3A = arith.constant 4 : i32
      %rem3A_33 = arith.remsi %while3A_32, %rem3A : i32
      %rem3A_34 = arith.constant 3 : i32
      %rem3A_35 = arith.remsi %while3A_32, %rem3A_34 : i32
      %dma_wait3A = arith.constant 0 : i32
      %dma_wait3A_36 = arith.constant 0 : i32
      %dma_wait3A_37 = arith.constant 0 : i32
      %dma_wait3A_38 = tpu.memref_slice %arg7[%rem3A_35, %dma_wait3A_36, %dma_wait3A_37] : memref<3x128x128xf32, #tpu.memory_space<vmem>> -> memref<1x128x128xf32, #tpu.memory_space<vmem>>
      %dma_wait3A_39 = tpu.memref_squeeze %dma_wait3A_38 : memref<1x128x128xf32, #tpu.memory_space<vmem>> -> memref<128x128xf32, #tpu.memory_space<vmem>>
      %dma_wait3A_40 = arith.constant 0 : i32
      %dma_wait3A_41 = tpu.memref_slice %arg6[%rem3A_33, %dma_wait3A, %dma_wait3A_40] : memref<4x2x128xi32, #tpu.memory_space<vmem>> -> memref<1x1x128xi32, #tpu.memory_space<vmem>>
      %dma_wait3A_42 = tpu.memref_squeeze %dma_wait3A_41 : memref<1x1x128xi32, #tpu.memory_space<vmem>> -> memref<128xi32, #tpu.memory_space<vmem>>
      %dma_wait3A_43 = arith.constant 0 : i32
      %dma_wait3A_44 = arith.constant 0 : i32
      %dma_wait3A_45 = tpu.memref_slice %arg2[%dma_wait3A_43, %dma_wait3A_44] : memref<10000x128xf32, #tpu.memory_space<hbm>> -> memref<10000x128xf32, #tpu.memory_space<hbm>>
      %dma_wait3A_46 = tpu.memref_slice %arg10[%rem3A_35] : memref<3x!tpu.dma_semaphore, #tpu.memory_space<semaphore_mem>> -> memref<1x!tpu.dma_semaphore, #tpu.memory_space<semaphore_mem>>
      %dma_wait3A_47 = tpu.memref_squeeze %dma_wait3A_46 : memref<1x!tpu.dma_semaphore, #tpu.memory_space<semaphore_mem>> -> memref<!tpu.dma_semaphore, #tpu.memory_space<semaphore_mem>>
      tpu.wait_indirect_dma semaphore(%dma_wait3A_47 : memref<!tpu.dma_semaphore, #tpu.memory_space<semaphore_mem>>) src(%dma_wait3A_45 : memref<10000x128xf32, #tpu.memory_space<hbm>>) dst(%dma_wait3A_39 : memref<128x128xf32, #tpu.memory_space<vmem>>)
      %rem3A_48 = arith.constant 4 : i32
      %rem3A_49 = arith.remsi %while3A_32, %rem3A_48 : i32
      %rem3A_50 = arith.constant 3 : i32
      %rem3A_51 = arith.remsi %while3A_32, %rem3A_50 : i32
      %run_scoped3A = arith.constant 1 : i32
      "tpu.region"() ({
        %run_scoped3A_62 = tpu.sem_alloc : memref<!tpu.dma_semaphore, #tpu.memory_space<semaphore_mem>>
        %dma_start3A = arith.constant 0 : i32
        %dma_start3A_63 = arith.constant 0 : i32
        %dma_start3A_64 = tpu.memref_slice %arg7[%rem3A_51, %dma_start3A, %dma_start3A_63] : memref<3x128x128xf32, #tpu.memory_space<vmem>> -> memref<1x128x128xf32, #tpu.memory_space<vmem>>
        %dma_start3A_65 = tpu.memref_squeeze %dma_start3A_64 : memref<1x128x128xf32, #tpu.memory_space<vmem>> -> memref<128x128xf32, #tpu.memory_space<vmem>>
        %dma_start3A_66 = arith.constant 0 : i32
        %dma_start3A_67 = tpu.memref_slice %arg6[%rem3A_49, %run_scoped3A, %dma_start3A_66] : memref<4x2x128xi32, #tpu.memory_space<vmem>> -> memref<1x1x128xi32, #tpu.memory_space<vmem>>
        %dma_start3A_68 = tpu.memref_squeeze %dma_start3A_67 : memref<1x1x128xi32, #tpu.memory_space<vmem>> -> memref<128xi32, #tpu.memory_space<vmem>>
        %dma_start3A_69 = arith.constant 0 : i32
        %dma_start3A_70 = arith.constant 0 : i32
        %dma_start3A_71 = tpu.memref_slice %arg8[%dma_start3A_69, %dma_start3A_70] : memref<10112x128xf32, #tpu.memory_space<vmem_shared>> -> memref<10112x128xf32, #tpu.memory_space<vmem_shared>>
        tpu.enqueue_indirect_dma source(%dma_start3A_65 : memref<128x128xf32, #tpu.memory_space<vmem>>) target(%dma_start3A_71 : memref<10112x128xf32, #tpu.memory_space<vmem_shared>>) offsets(%dma_start3A_68 : memref<128xi32, #tpu.memory_space<vmem>>) semaphore(%run_scoped3A_62 : memref<!tpu.dma_semaphore, #tpu.memory_space<semaphore_mem>>) {add = true}
        %dma_wait3A_72 = arith.constant 0 : i32
        %dma_wait3A_73 = arith.constant 0 : i32
        %dma_wait3A_74 = tpu.memref_slice %arg7[%rem3A_51, %dma_wait3A_72, %dma_wait3A_73] : memref<3x128x128xf32, #tpu.memory_space<vmem>> -> memref<1x128x128xf32, #tpu.memory_space<vmem>>
        %dma_wait3A_75 = tpu.memref_squeeze %dma_wait3A_74 : memref<1x128x128xf32, #tpu.memory_space<vmem>> -> memref<128x128xf32, #tpu.memory_space<vmem>>
        %dma_wait3A_76 = arith.constant 0 : i32
        %dma_wait3A_77 = tpu.memref_slice %arg6[%rem3A_49, %run_scoped3A, %dma_wait3A_76] : memref<4x2x128xi32, #tpu.memory_space<vmem>> -> memref<1x1x128xi32, #tpu.memory_space<vmem>>
        %dma_wait3A_78 = tpu.memref_squeeze %dma_wait3A_77 : memref<1x1x128xi32, #tpu.memory_space<vmem>> -> memref<128xi32, #tpu.memory_space<vmem>>
        %dma_wait3A_79 = arith.constant 0 : i32
        %dma_wait3A_80 = arith.constant 0 : i32
        %dma_wait3A_81 = tpu.memref_slice %arg8[%dma_wait3A_79, %dma_wait3A_80] : memref<10112x128xf32, #tpu.memory_space<vmem_shared>> -> memref<10112x128xf32, #tpu.memory_space<vmem_shared>>
        tpu.wait_indirect_dma semaphore(%run_scoped3A_62 : memref<!tpu.dma_semaphore, #tpu.memory_space<semaphore_mem>>) src(%dma_wait3A_75 : memref<128x128xf32, #tpu.memory_space<vmem>>) dst(%dma_wait3A_81 : memref<10112x128xf32, #tpu.memory_space<vmem_shared>>)
        tpu.yield
      }) : () -> ()
      %add3A_52 = arith.constant 4 : i32
      %add3A_53 = arith.addi %while3A_32, %add3A_52 : i32
      %lt3A_54 = arith.cmpi slt, %add3A_53, %add3A_6 : i32
      %convert_element_type3A = arith.extui %lt3A_54 : i1 to i32
      %cond3A = arith.constant 0 : i32
      %cond3A_55 = arith.cmpi ne, %convert_element_type3A, %cond3A : i32
      scf.if %cond3A_55 {
        %add3A_62 = arith.constant 4 : i32
        %add3A_63 = arith.addi %while3A_32, %add3A_62 : i32
        %rem3A_64 = arith.constant 4 : i32
        %rem3A_65 = arith.remsi %add3A_63, %rem3A_64 : i32
        %add3A_66 = arith.addi %add3A_10, %add3A_63 : i32
        %dma_start3A = arith.constant 0 : i32
        %dma_start3A_67 = arith.constant 0 : i32
        %dma_start3A_68 = tpu.memref_slice %arg6[%rem3A_65, %dma_start3A, %dma_start3A_67] : memref<4x2x128xi32, #tpu.memory_space<vmem>> -> memref<1x2x128xi32, #tpu.memory_space<vmem>>
        %dma_start3A_69 = tpu.memref_squeeze %dma_start3A_68 : memref<1x2x128xi32, #tpu.memory_space<vmem>> -> memref<2x128xi32, #tpu.memory_space<vmem>>
        %dma_start3A_70 = arith.constant 0 : i32
        %dma_start3A_71 = arith.constant 0 : i32
        %dma_start3A_72 = tpu.memref_slice %arg3[%add3A_66, %dma_start3A_70, %dma_start3A_71] : memref<2500x2x128xi32, #tpu.memory_space<hbm>> -> memref<1x2x128xi32, #tpu.memory_space<hbm>>
        %dma_start3A_73 = tpu.memref_squeeze %dma_start3A_72 : memref<1x2x128xi32, #tpu.memory_space<hbm>> -> memref<2x128xi32, #tpu.memory_space<hbm>>
        %dma_start3A_74 = tpu.memref_slice %arg9[%rem3A_65] : memref<4x!tpu.dma_semaphore, #tpu.memory_space<semaphore_mem>> -> memref<1x!tpu.dma_semaphore, #tpu.memory_space<semaphore_mem>>
        %dma_start3A_75 = tpu.memref_squeeze %dma_start3A_74 : memref<1x!tpu.dma_semaphore, #tpu.memory_space<semaphore_mem>> -> memref<!tpu.dma_semaphore, #tpu.memory_space<semaphore_mem>>
        %dma_start3A_76 = arith.constant 0 : i32
        %dma_start3A_77 = arith.constant 0 : i32
        %dma_start3A_78 = tpu.memref_slice %arg6[%rem3A_65, %dma_start3A_76, %dma_start3A_77] : memref<4x2x128xi32, #tpu.memory_space<vmem>> -> memref<1x2x128xi32, #tpu.memory_space<vmem>>
        %dma_start3A_79 = tpu.memref_squeeze %dma_start3A_78 : memref<1x2x128xi32, #tpu.memory_space<vmem>> -> memref<2x128xi32, #tpu.memory_space<vmem>>
        %dma_start3A_80 = arith.constant 0 : i32
        %dma_start3A_81 = arith.constant 0 : i32
        %dma_start3A_82 = tpu.memref_slice %arg3[%add3A_66, %dma_start3A_80, %dma_start3A_81] : memref<2500x2x128xi32, #tpu.memory_space<hbm>> -> memref<1x2x128xi32, #tpu.memory_space<hbm>>
        %dma_start3A_83 = tpu.memref_squeeze %dma_start3A_82 : memref<1x2x128xi32, #tpu.memory_space<hbm>> -> memref<2x128xi32, #tpu.memory_space<hbm>>
        tpu.enqueue_dma source(%dma_start3A_83 : memref<2x128xi32, #tpu.memory_space<hbm>>) target(%dma_start3A_79 : memref<2x128xi32, #tpu.memory_space<vmem>>) target_semaphore(%dma_start3A_75 : memref<!tpu.dma_semaphore, #tpu.memory_space<semaphore_mem>>)
      } else {
      }
      %add3A_56 = arith.constant 3 : i32
      %add3A_57 = arith.addi %while3A_32, %add3A_56 : i32
      %lt3A_58 = arith.cmpi slt, %add3A_57, %add3A_6 : i32
      %convert_element_type3A_59 = arith.extui %lt3A_58 : i1 to i32
      %cond3A_60 = arith.constant 0 : i32
      %cond3A_61 = arith.cmpi ne, %convert_element_type3A_59, %cond3A_60 : i32
      scf.if %cond3A_61 {
        %add3A_62 = arith.constant 3 : i32
        %add3A_63 = arith.addi %while3A_32, %add3A_62 : i32
        %rem3A_64 = arith.constant 4 : i32
        %rem3A_65 = arith.remsi %add3A_63, %rem3A_64 : i32
        %add3A_66 = arith.addi %add3A_10, %add3A_63 : i32
        %dma_wait3A_67 = arith.constant 0 : i32
        %dma_wait3A_68 = arith.constant 0 : i32
        %dma_wait3A_69 = tpu.memref_slice %arg6[%rem3A_65, %dma_wait3A_67, %dma_wait3A_68] : memref<4x2x128xi32, #tpu.memory_space<vmem>> -> memref<1x2x128xi32, #tpu.memory_space<vmem>>
        %dma_wait3A_70 = tpu.memref_squeeze %dma_wait3A_69 : memref<1x2x128xi32, #tpu.memory_space<vmem>> -> memref<2x128xi32, #tpu.memory_space<vmem>>
        %dma_wait3A_71 = arith.constant 0 : i32
        %dma_wait3A_72 = arith.constant 0 : i32
        %dma_wait3A_73 = tpu.memref_slice %arg3[%add3A_66, %dma_wait3A_71, %dma_wait3A_72] : memref<2500x2x128xi32, #tpu.memory_space<hbm>> -> memref<1x2x128xi32, #tpu.memory_space<hbm>>
        %dma_wait3A_74 = tpu.memref_squeeze %dma_wait3A_73 : memref<1x2x128xi32, #tpu.memory_space<hbm>> -> memref<2x128xi32, #tpu.memory_space<hbm>>
        %dma_wait3A_75 = tpu.memref_slice %arg9[%rem3A_65] : memref<4x!tpu.dma_semaphore, #tpu.memory_space<semaphore_mem>> -> memref<1x!tpu.dma_semaphore, #tpu.memory_space<semaphore_mem>>
        %dma_wait3A_76 = tpu.memref_squeeze %dma_wait3A_75 : memref<1x!tpu.dma_semaphore, #tpu.memory_space<semaphore_mem>> -> memref<!tpu.dma_semaphore, #tpu.memory_space<semaphore_mem>>
        %dma_wait3A_77 = arith.constant 0 : i32
        %dma_wait3A_78 = arith.constant 0 : i32
        %dma_wait3A_79 = tpu.memref_slice %arg6[%rem3A_65, %dma_wait3A_77, %dma_wait3A_78] : memref<4x2x128xi32, #tpu.memory_space<vmem>> -> memref<1x2x128xi32, #tpu.memory_space<vmem>>
        %dma_wait3A_80 = tpu.memref_squeeze %dma_wait3A_79 : memref<1x2x128xi32, #tpu.memory_space<vmem>> -> memref<2x128xi32, #tpu.memory_space<vmem>>
        %dma_wait3A_81 = arith.constant 0 : i32
        %dma_wait3A_82 = arith.constant 0 : i32
        %dma_wait3A_83 = tpu.memref_slice %arg3[%add3A_66, %dma_wait3A_81, %dma_wait3A_82] : memref<2500x2x128xi32, #tpu.memory_space<hbm>> -> memref<1x2x128xi32, #tpu.memory_space<hbm>>
        %dma_wait3A_84 = tpu.memref_squeeze %dma_wait3A_83 : memref<1x2x128xi32, #tpu.memory_space<hbm>> -> memref<2x128xi32, #tpu.memory_space<hbm>>
        tpu.wait_dma2 semaphore(%dma_wait3A_76 : memref<!tpu.dma_semaphore, #tpu.memory_space<semaphore_mem>>) src(%dma_wait3A_84 : memref<2x128xi32, #tpu.memory_space<hbm>>) dst(%dma_wait3A_80 : memref<2x128xi32, #tpu.memory_space<vmem>>)
        %add3A_85 = arith.constant 3 : i32
        %add3A_86 = arith.addi %while3A_32, %add3A_85 : i32
        %rem3A_87 = arith.constant 4 : i32
        %rem3A_88 = arith.remsi %add3A_86, %rem3A_87 : i32
        %rem3A_89 = arith.constant 3 : i32
        %rem3A_90 = arith.remsi %add3A_86, %rem3A_89 : i32
        %dma_start3A = arith.constant 0 : i32
        %dma_start3A_91 = arith.constant 0 : i32
        %dma_start3A_92 = arith.constant 0 : i32
        %dma_start3A_93 = tpu.memref_slice %arg7[%rem3A_90, %dma_start3A_91, %dma_start3A_92] : memref<3x128x128xf32, #tpu.memory_space<vmem>> -> memref<1x128x128xf32, #tpu.memory_space<vmem>>
        %dma_start3A_94 = tpu.memref_squeeze %dma_start3A_93 : memref<1x128x128xf32, #tpu.memory_space<vmem>> -> memref<128x128xf32, #tpu.memory_space<vmem>>
        %dma_start3A_95 = arith.constant 0 : i32
        %dma_start3A_96 = tpu.memref_slice %arg6[%rem3A_88, %dma_start3A, %dma_start3A_95] : memref<4x2x128xi32, #tpu.memory_space<vmem>> -> memref<1x1x128xi32, #tpu.memory_space<vmem>>
        %dma_start3A_97 = tpu.memref_squeeze %dma_start3A_96 : memref<1x1x128xi32, #tpu.memory_space<vmem>> -> memref<128xi32, #tpu.memory_space<vmem>>
        %dma_start3A_98 = arith.constant 0 : i32
        %dma_start3A_99 = arith.constant 0 : i32
        %dma_start3A_100 = tpu.memref_slice %arg2[%dma_start3A_98, %dma_start3A_99] : memref<10000x128xf32, #tpu.memory_space<hbm>> -> memref<10000x128xf32, #tpu.memory_space<hbm>>
        %dma_start3A_101 = tpu.memref_slice %arg10[%rem3A_90] : memref<3x!tpu.dma_semaphore, #tpu.memory_space<semaphore_mem>> -> memref<1x!tpu.dma_semaphore, #tpu.memory_space<semaphore_mem>>
        %dma_start3A_102 = tpu.memref_squeeze %dma_start3A_101 : memref<1x!tpu.dma_semaphore, #tpu.memory_space<semaphore_mem>> -> memref<!tpu.dma_semaphore, #tpu.memory_space<semaphore_mem>>
        tpu.enqueue_indirect_dma source(%dma_start3A_100 : memref<10000x128xf32, #tpu.memory_space<hbm>>) target(%dma_start3A_94 : memref<128x128xf32, #tpu.memory_space<vmem>>) offsets(%dma_start3A_97 : memref<128xi32, #tpu.memory_space<vmem>>) semaphore(%dma_start3A_102 : memref<!tpu.dma_semaphore, #tpu.memory_space<semaphore_mem>>)
      } else {
      }
    }
    %while3A_30 = arith.constant 1 : i32
    scf.for %while3A_32 = %while3A_28 to %while3A_24 step %while3A_30  : i32 {
      %rem3A = arith.constant 4 : i32
      %rem3A_33 = arith.remsi %while3A_32, %rem3A : i32
      %rem3A_34 = arith.constant 3 : i32
      %rem3A_35 = arith.remsi %while3A_32, %rem3A_34 : i32
      %dma_wait3A = arith.constant 0 : i32
      %dma_wait3A_36 = arith.constant 0 : i32
      %dma_wait3A_37 = arith.constant 0 : i32
      %dma_wait3A_38 = tpu.memref_slice %arg7[%rem3A_35, %dma_wait3A_36, %dma_wait3A_37] : memref<3x128x128xf32, #tpu.memory_space<vmem>> -> memref<1x128x128xf32, #tpu.memory_space<vmem>>
      %dma_wait3A_39 = tpu.memref_squeeze %dma_wait3A_38 : memref<1x128x128xf32, #tpu.memory_space<vmem>> -> memref<128x128xf32, #tpu.memory_space<vmem>>
      %dma_wait3A_40 = arith.constant 0 : i32
      %dma_wait3A_41 = tpu.memref_slice %arg6[%rem3A_33, %dma_wait3A, %dma_wait3A_40] : memref<4x2x128xi32, #tpu.memory_space<vmem>> -> memref<1x1x128xi32, #tpu.memory_space<vmem>>
      %dma_wait3A_42 = tpu.memref_squeeze %dma_wait3A_41 : memref<1x1x128xi32, #tpu.memory_space<vmem>> -> memref<128xi32, #tpu.memory_space<vmem>>
      %dma_wait3A_43 = arith.constant 0 : i32
      %dma_wait3A_44 = arith.constant 0 : i32
      %dma_wait3A_45 = tpu.memref_slice %arg2[%dma_wait3A_43, %dma_wait3A_44] : memref<10000x128xf32, #tpu.memory_space<hbm>> -> memref<10000x128xf32, #tpu.memory_space<hbm>>
      %dma_wait3A_46 = tpu.memref_slice %arg10[%rem3A_35] : memref<3x!tpu.dma_semaphore, #tpu.memory_space<semaphore_mem>> -> memref<1x!tpu.dma_semaphore, #tpu.memory_space<semaphore_mem>>
      %dma_wait3A_47 = tpu.memref_squeeze %dma_wait3A_46 : memref<1x!tpu.dma_semaphore, #tpu.memory_space<semaphore_mem>> -> memref<!tpu.dma_semaphore, #tpu.memory_space<semaphore_mem>>
      tpu.wait_indirect_dma semaphore(%dma_wait3A_47 : memref<!tpu.dma_semaphore, #tpu.memory_space<semaphore_mem>>) src(%dma_wait3A_45 : memref<10000x128xf32, #tpu.memory_space<hbm>>) dst(%dma_wait3A_39 : memref<128x128xf32, #tpu.memory_space<vmem>>)
      %rem3A_48 = arith.constant 4 : i32
      %rem3A_49 = arith.remsi %while3A_32, %rem3A_48 : i32
      %rem3A_50 = arith.constant 3 : i32
      %rem3A_51 = arith.remsi %while3A_32, %rem3A_50 : i32
      %run_scoped3A = arith.constant 1 : i32
      "tpu.region"() ({
        %run_scoped3A_62 = tpu.sem_alloc : memref<!tpu.dma_semaphore, #tpu.memory_space<semaphore_mem>>
        %dma_start3A = arith.constant 0 : i32
        %dma_start3A_63 = arith.constant 0 : i32
        %dma_start3A_64 = tpu.memref_slice %arg7[%rem3A_51, %dma_start3A, %dma_start3A_63] : memref<3x128x128xf32, #tpu.memory_space<vmem>> -> memref<1x128x128xf32, #tpu.memory_space<vmem>>
        %dma_start3A_65 = tpu.memref_squeeze %dma_start3A_64 : memref<1x128x128xf32, #tpu.memory_space<vmem>> -> memref<128x128xf32, #tpu.memory_space<vmem>>
        %dma_start3A_66 = arith.constant 0 : i32
        %dma_start3A_67 = tpu.memref_slice %arg6[%rem3A_49, %run_scoped3A, %dma_start3A_66] : memref<4x2x128xi32, #tpu.memory_space<vmem>> -> memref<1x1x128xi32, #tpu.memory_space<vmem>>
        %dma_start3A_68 = tpu.memref_squeeze %dma_start3A_67 : memref<1x1x128xi32, #tpu.memory_space<vmem>> -> memref<128xi32, #tpu.memory_space<vmem>>
        %dma_start3A_69 = arith.constant 0 : i32
        %dma_start3A_70 = arith.constant 0 : i32
        %dma_start3A_71 = tpu.memref_slice %arg8[%dma_start3A_69, %dma_start3A_70] : memref<10112x128xf32, #tpu.memory_space<vmem_shared>> -> memref<10112x128xf32, #tpu.memory_space<vmem_shared>>
        tpu.enqueue_indirect_dma source(%dma_start3A_65 : memref<128x128xf32, #tpu.memory_space<vmem>>) target(%dma_start3A_71 : memref<10112x128xf32, #tpu.memory_space<vmem_shared>>) offsets(%dma_start3A_68 : memref<128xi32, #tpu.memory_space<vmem>>) semaphore(%run_scoped3A_62 : memref<!tpu.dma_semaphore, #tpu.memory_space<semaphore_mem>>) {add = true}
        %dma_wait3A_72 = arith.constant 0 : i32
        %dma_wait3A_73 = arith.constant 0 : i32
        %dma_wait3A_74 = tpu.memref_slice %arg7[%rem3A_51, %dma_wait3A_72, %dma_wait3A_73] : memref<3x128x128xf32, #tpu.memory_space<vmem>> -> memref<1x128x128xf32, #tpu.memory_space<vmem>>
        %dma_wait3A_75 = tpu.memref_squeeze %dma_wait3A_74 : memref<1x128x128xf32, #tpu.memory_space<vmem>> -> memref<128x128xf32, #tpu.memory_space<vmem>>
        %dma_wait3A_76 = arith.constant 0 : i32
        %dma_wait3A_77 = tpu.memref_slice %arg6[%rem3A_49, %run_scoped3A, %dma_wait3A_76] : memref<4x2x128xi32, #tpu.memory_space<vmem>> -> memref<1x1x128xi32, #tpu.memory_space<vmem>>
        %dma_wait3A_78 = tpu.memref_squeeze %dma_wait3A_77 : memref<1x1x128xi32, #tpu.memory_space<vmem>> -> memref<128xi32, #tpu.memory_space<vmem>>
        %dma_wait3A_79 = arith.constant 0 : i32
        %dma_wait3A_80 = arith.constant 0 : i32
        %dma_wait3A_81 = tpu.memref_slice %arg8[%dma_wait3A_79, %dma_wait3A_80] : memref<10112x128xf32, #tpu.memory_space<vmem_shared>> -> memref<10112x128xf32, #tpu.memory_space<vmem_shared>>
        tpu.wait_indirect_dma semaphore(%run_scoped3A_62 : memref<!tpu.dma_semaphore, #tpu.memory_space<semaphore_mem>>) src(%dma_wait3A_75 : memref<128x128xf32, #tpu.memory_space<vmem>>) dst(%dma_wait3A_81 : memref<10112x128xf32, #tpu.memory_space<vmem_shared>>)
        tpu.yield
      }) : () -> ()
      %add3A_52 = arith.constant 4 : i32
      %add3A_53 = arith.addi %while3A_32, %add3A_52 : i32
      %lt3A_54 = arith.cmpi slt, %add3A_53, %add3A_6 : i32
      %convert_element_type3A = arith.extui %lt3A_54 : i1 to i32
      %cond3A = arith.constant 0 : i32
      %cond3A_55 = arith.cmpi ne, %convert_element_type3A, %cond3A : i32
      scf.if %cond3A_55 {
        %add3A_62 = arith.constant 4 : i32
        %add3A_63 = arith.addi %while3A_32, %add3A_62 : i32
        %rem3A_64 = arith.constant 4 : i32
        %rem3A_65 = arith.remsi %add3A_63, %rem3A_64 : i32
        %add3A_66 = arith.addi %add3A_10, %add3A_63 : i32
        %dma_start3A = arith.constant 0 : i32
        %dma_start3A_67 = arith.constant 0 : i32
        %dma_start3A_68 = tpu.memref_slice %arg6[%rem3A_65, %dma_start3A, %dma_start3A_67] : memref<4x2x128xi32, #tpu.memory_space<vmem>> -> memref<1x2x128xi32, #tpu.memory_space<vmem>>
        %dma_start3A_69 = tpu.memref_squeeze %dma_start3A_68 : memref<1x2x128xi32, #tpu.memory_space<vmem>> -> memref<2x128xi32, #tpu.memory_space<vmem>>
        %dma_start3A_70 = arith.constant 0 : i32
        %dma_start3A_71 = arith.constant 0 : i32
        %dma_start3A_72 = tpu.memref_slice %arg3[%add3A_66, %dma_start3A_70, %dma_start3A_71] : memref<2500x2x128xi32, #tpu.memory_space<hbm>> -> memref<1x2x128xi32, #tpu.memory_space<hbm>>
        %dma_start3A_73 = tpu.memref_squeeze %dma_start3A_72 : memref<1x2x128xi32, #tpu.memory_space<hbm>> -> memref<2x128xi32, #tpu.memory_space<hbm>>
        %dma_start3A_74 = tpu.memref_slice %arg9[%rem3A_65] : memref<4x!tpu.dma_semaphore, #tpu.memory_space<semaphore_mem>> -> memref<1x!tpu.dma_semaphore, #tpu.memory_space<semaphore_mem>>
        %dma_start3A_75 = tpu.memref_squeeze %dma_start3A_74 : memref<1x!tpu.dma_semaphore, #tpu.memory_space<semaphore_mem>> -> memref<!tpu.dma_semaphore, #tpu.memory_space<semaphore_mem>>
        %dma_start3A_76 = arith.constant 0 : i32
        %dma_start3A_77 = arith.constant 0 : i32
        %dma_start3A_78 = tpu.memref_slice %arg6[%rem3A_65, %dma_start3A_76, %dma_start3A_77] : memref<4x2x128xi32, #tpu.memory_space<vmem>> -> memref<1x2x128xi32, #tpu.memory_space<vmem>>
        %dma_start3A_79 = tpu.memref_squeeze %dma_start3A_78 : memref<1x2x128xi32, #tpu.memory_space<vmem>> -> memref<2x128xi32, #tpu.memory_space<vmem>>
        %dma_start3A_80 = arith.constant 0 : i32
        %dma_start3A_81 = arith.constant 0 : i32
        %dma_start3A_82 = tpu.memref_slice %arg3[%add3A_66, %dma_start3A_80, %dma_start3A_81] : memref<2500x2x128xi32, #tpu.memory_space<hbm>> -> memref<1x2x128xi32, #tpu.memory_space<hbm>>
        %dma_start3A_83 = tpu.memref_squeeze %dma_start3A_82 : memref<1x2x128xi32, #tpu.memory_space<hbm>> -> memref<2x128xi32, #tpu.memory_space<hbm>>
        tpu.enqueue_dma source(%dma_start3A_83 : memref<2x128xi32, #tpu.memory_space<hbm>>) target(%dma_start3A_79 : memref<2x128xi32, #tpu.memory_space<vmem>>) target_semaphore(%dma_start3A_75 : memref<!tpu.dma_semaphore, #tpu.memory_space<semaphore_mem>>)
      } else {
      }
      %add3A_56 = arith.constant 3 : i32
      %add3A_57 = arith.addi %while3A_32, %add3A_56 : i32
      %lt3A_58 = arith.cmpi slt, %add3A_57, %add3A_6 : i32
      %convert_element_type3A_59 = arith.extui %lt3A_58 : i1 to i32
      %cond3A_60 = arith.constant 0 : i32
      %cond3A_61 = arith.cmpi ne, %convert_element_type3A_59, %cond3A_60 : i32
      scf.if %cond3A_61 {
        %add3A_62 = arith.constant 3 : i32
        %add3A_63 = arith.addi %while3A_32, %add3A_62 : i32
        %rem3A_64 = arith.constant 4 : i32
        %rem3A_65 = arith.remsi %add3A_63, %rem3A_64 : i32
        %add3A_66 = arith.addi %add3A_10, %add3A_63 : i32
        %dma_wait3A_67 = arith.constant 0 : i32
        %dma_wait3A_68 = arith.constant 0 : i32
        %dma_wait3A_69 = tpu.memref_slice %arg6[%rem3A_65, %dma_wait3A_67, %dma_wait3A_68] : memref<4x2x128xi32, #tpu.memory_space<vmem>> -> memref<1x2x128xi32, #tpu.memory_space<vmem>>
        %dma_wait3A_70 = tpu.memref_squeeze %dma_wait3A_69 : memref<1x2x128xi32, #tpu.memory_space<vmem>> -> memref<2x128xi32, #tpu.memory_space<vmem>>
        %dma_wait3A_71 = arith.constant 0 : i32
        %dma_wait3A_72 = arith.constant 0 : i32
        %dma_wait3A_73 = tpu.memref_slice %arg3[%add3A_66, %dma_wait3A_71, %dma_wait3A_72] : memref<2500x2x128xi32, #tpu.memory_space<hbm>> -> memref<1x2x128xi32, #tpu.memory_space<hbm>>
        %dma_wait3A_74 = tpu.memref_squeeze %dma_wait3A_73 : memref<1x2x128xi32, #tpu.memory_space<hbm>> -> memref<2x128xi32, #tpu.memory_space<hbm>>
        %dma_wait3A_75 = tpu.memref_slice %arg9[%rem3A_65] : memref<4x!tpu.dma_semaphore, #tpu.memory_space<semaphore_mem>> -> memref<1x!tpu.dma_semaphore, #tpu.memory_space<semaphore_mem>>
        %dma_wait3A_76 = tpu.memref_squeeze %dma_wait3A_75 : memref<1x!tpu.dma_semaphore, #tpu.memory_space<semaphore_mem>> -> memref<!tpu.dma_semaphore, #tpu.memory_space<semaphore_mem>>
        %dma_wait3A_77 = arith.constant 0 : i32
        %dma_wait3A_78 = arith.constant 0 : i32
        %dma_wait3A_79 = tpu.memref_slice %arg6[%rem3A_65, %dma_wait3A_77, %dma_wait3A_78] : memref<4x2x128xi32, #tpu.memory_space<vmem>> -> memref<1x2x128xi32, #tpu.memory_space<vmem>>
        %dma_wait3A_80 = tpu.memref_squeeze %dma_wait3A_79 : memref<1x2x128xi32, #tpu.memory_space<vmem>> -> memref<2x128xi32, #tpu.memory_space<vmem>>
        %dma_wait3A_81 = arith.constant 0 : i32
        %dma_wait3A_82 = arith.constant 0 : i32
        %dma_wait3A_83 = tpu.memref_slice %arg3[%add3A_66, %dma_wait3A_81, %dma_wait3A_82] : memref<2500x2x128xi32, #tpu.memory_space<hbm>> -> memref<1x2x128xi32, #tpu.memory_space<hbm>>
        %dma_wait3A_84 = tpu.memref_squeeze %dma_wait3A_83 : memref<1x2x128xi32, #tpu.memory_space<hbm>> -> memref<2x128xi32, #tpu.memory_space<hbm>>
        tpu.wait_dma2 semaphore(%dma_wait3A_76 : memref<!tpu.dma_semaphore, #tpu.memory_space<semaphore_mem>>) src(%dma_wait3A_84 : memref<2x128xi32, #tpu.memory_space<hbm>>) dst(%dma_wait3A_80 : memref<2x128xi32, #tpu.memory_space<vmem>>)
        %add3A_85 = arith.constant 3 : i32
        %add3A_86 = arith.addi %while3A_32, %add3A_85 : i32
        %rem3A_87 = arith.constant 4 : i32
        %rem3A_88 = arith.remsi %add3A_86, %rem3A_87 : i32
        %rem3A_89 = arith.constant 3 : i32
        %rem3A_90 = arith.remsi %add3A_86, %rem3A_89 : i32
        %dma_start3A = arith.constant 0 : i32
        %dma_start3A_91 = arith.constant 0 : i32
        %dma_start3A_92 = arith.constant 0 : i32
        %dma_start3A_93 = tpu.memref_slice %arg7[%rem3A_90, %dma_start3A_91, %dma_start3A_92] : memref<3x128x128xf32, #tpu.memory_space<vmem>> -> memref<1x128x128xf32, #tpu.memory_space<vmem>>
        %dma_start3A_94 = tpu.memref_squeeze %dma_start3A_93 : memref<1x128x128xf32, #tpu.memory_space<vmem>> -> memref<128x128xf32, #tpu.memory_space<vmem>>
        %dma_start3A_95 = arith.constant 0 : i32
        %dma_start3A_96 = tpu.memref_slice %arg6[%rem3A_88, %dma_start3A, %dma_start3A_95] : memref<4x2x128xi32, #tpu.memory_space<vmem>> -> memref<1x1x128xi32, #tpu.memory_space<vmem>>
        %dma_start3A_97 = tpu.memref_squeeze %dma_start3A_96 : memref<1x1x128xi32, #tpu.memory_space<vmem>> -> memref<128xi32, #tpu.memory_space<vmem>>
        %dma_start3A_98 = arith.constant 0 : i32
        %dma_start3A_99 = arith.constant 0 : i32
        %dma_start3A_100 = tpu.memref_slice %arg2[%dma_start3A_98, %dma_start3A_99] : memref<10000x128xf32, #tpu.memory_space<hbm>> -> memref<10000x128xf32, #tpu.memory_space<hbm>>
        %dma_start3A_101 = tpu.memref_slice %arg10[%rem3A_90] : memref<3x!tpu.dma_semaphore, #tpu.memory_space<semaphore_mem>> -> memref<1x!tpu.dma_semaphore, #tpu.memory_space<semaphore_mem>>
        %dma_start3A_102 = tpu.memref_squeeze %dma_start3A_101 : memref<1x!tpu.dma_semaphore, #tpu.memory_space<semaphore_mem>> -> memref<!tpu.dma_semaphore, #tpu.memory_space<semaphore_mem>>
        tpu.enqueue_indirect_dma source(%dma_start3A_100 : memref<10000x128xf32, #tpu.memory_space<hbm>>) target(%dma_start3A_94 : memref<128x128xf32, #tpu.memory_space<vmem>>) offsets(%dma_start3A_97 : memref<128xi32, #tpu.memory_space<vmem>>) semaphore(%dma_start3A_102 : memref<!tpu.dma_semaphore, #tpu.memory_space<semaphore_mem>>)
      } else {
      }
    }
    %barrier3A_31 = arith.constant 0 : index
    tpu.barrier barrier_id(%barrier3A_31)
    "tpu.region"() ({
      %run_scoped3A = tpu.sem_alloc : memref<!tpu.dma_semaphore, #tpu.memory_space<semaphore_mem>>
      %dma_start3A = arith.constant 0 : i32
      %dma_start3A_32 = tpu.memref_slice %arg5[%arg0, %mul3A_0, %dma_start3A] : memref<2x10112x128xf32, #tpu.memory_space<hbm>> -> memref<1x632x128xf32, #tpu.memory_space<hbm>>
      %dma_start3A_33 = tpu.memref_squeeze %dma_start3A_32 : memref<1x632x128xf32, #tpu.memory_space<hbm>> -> memref<632x128xf32, #tpu.memory_space<hbm>>
      %dma_start3A_34 = arith.constant 0 : i32
      %dma_start3A_35 = tpu.memref_slice %arg8[%mul3A_0, %dma_start3A_34] : memref<10112x128xf32, #tpu.memory_space<vmem_shared>> -> memref<632x128xf32, #tpu.memory_space<vmem_shared>>
      tpu.enqueue_dma source(%dma_start3A_35 : memref<632x128xf32, #tpu.memory_space<vmem_shared>>) target(%dma_start3A_33 : memref<632x128xf32, #tpu.memory_space<hbm>>) target_semaphore(%run_scoped3A : memref<!tpu.dma_semaphore, #tpu.memory_space<semaphore_mem>>)
      %dma_wait3A = arith.constant 0 : i32
      %dma_wait3A_36 = tpu.memref_slice %arg5[%arg0, %mul3A_0, %dma_wait3A] : memref<2x10112x128xf32, #tpu.memory_space<hbm>> -> memref<1x632x128xf32, #tpu.memory_space<hbm>>
      %dma_wait3A_37 = tpu.memref_squeeze %dma_wait3A_36 : memref<1x632x128xf32, #tpu.memory_space<hbm>> -> memref<632x128xf32, #tpu.memory_space<hbm>>
      %dma_wait3A_38 = arith.constant 0 : i32
      %dma_wait3A_39 = tpu.memref_slice %arg8[%mul3A_0, %dma_wait3A_38] : memref<10112x128xf32, #tpu.memory_space<vmem_shared>> -> memref<632x128xf32, #tpu.memory_space<vmem_shared>>
      tpu.wait_dma2 semaphore(%run_scoped3A : memref<!tpu.dma_semaphore, #tpu.memory_space<semaphore_mem>>) src(%dma_wait3A_39 : memref<632x128xf32, #tpu.memory_space<vmem_shared>>) dst(%dma_wait3A_37 : memref<632x128xf32, #tpu.memory_space<hbm>>)
      tpu.yield
    }) : () -> ()
    return
  }
}

module attributes {stable_mosaic.version = 14 : i64} {
  func.func @_merge_body(%arg0: i32, %arg1: memref<2x1000x128xf32, #tpu.memory_space<vmem>>, %arg2: memref<128x128xf32, #tpu.memory_space<vmem>>, %arg3: memref<1x128xf32, #tpu.memory_space<vmem>>, %arg4: memref<1000x128xf32, #tpu.memory_space<vmem>>) attributes {dimension_semantics = [#tpu.dimension_semantics<arbitrary>], iteration_bounds = array<i64: 10>, scalar_prefetch = 0 : i64, scratch_operands = 0 : i64, tpu.core_type = #tpu.core_type<tc>, window_params = [{transform_indices = @transform_0, window_bounds = array<i64: 2, 1000, 128>}, {pipeline_mode = #tpu.pipeline_mode<synchronous>, transform_indices = @transform_1, window_bounds = array<i64: 128, 128>}, {pipeline_mode = #tpu.pipeline_mode<synchronous>, transform_indices = @transform_2, window_bounds = array<i64: 1, 128>}, {transform_indices = @transform_3, window_bounds = array<i64: 1000, 128>}]} {
    %get3A = arith.constant 0 : index
    %get3A_0 = arith.constant 0 : index
    %get3A_1 = arith.constant 0 : index
    %get3A_2 = vector.load %arg1[%get3A, %get3A_0, %get3A_1] : memref<2x1000x128xf32, #tpu.memory_space<vmem>>, vector<1x1000x128xf32>
    %get3A_3 = vector.shape_cast %get3A_2 : vector<1x1000x128xf32> to vector<1000x128xf32>
    %get3A_4 = arith.constant 1 : index
    %get3A_5 = arith.constant 0 : index
    %get3A_6 = arith.constant 0 : index
    %get3A_7 = vector.load %arg1[%get3A_4, %get3A_5, %get3A_6] : memref<2x1000x128xf32, #tpu.memory_space<vmem>>, vector<1x1000x128xf32>
    %get3A_8 = vector.shape_cast %get3A_7 : vector<1x1000x128xf32> to vector<1000x128xf32>
    %add3A = arith.addf %get3A_3, %get3A_8 : vector<1000x128xf32>
    %get3A_9 = arith.constant 0 : index
    %get3A_10 = arith.constant 0 : index
    %get3A_11 = vector.load %arg2[%get3A_9, %get3A_10] : memref<128x128xf32, #tpu.memory_space<vmem>>, vector<128x128xf32>
    %dot_general3A = arith.constant dense<0.000000e+00> : vector<1000x128xf32>
    %dot_general3A_12 = tpu.matmul %add3A, %get3A_11, %dot_general3A {dimension_numbers = #tpu.dot_dimension_numbers<[1], [1], [0], [0], [0, 0, 1, 0], [], []>, transpose_lhs_hint = false} : vector<1000x128xf32>, vector<128x128xf32>, vector<1000x128xf32> -> vector<1000x128xf32>
    %get3A_13 = arith.constant 0 : index
    %get3A_14 = arith.constant 0 : index
    %get3A_15 = vector.load %arg3[%get3A_13, %get3A_14] : memref<1x128xf32, #tpu.memory_space<vmem>>, vector<1x128xf32>
    %add3A_16 = vector.broadcast %get3A_15 : vector<1x128xf32> to vector<1000x128xf32>
    %add3A_17 = arith.addf %dot_general3A_12, %add3A_16 : vector<1000x128xf32>
    %swap3A = arith.constant 0 : index
    %swap3A_18 = arith.constant 0 : index
    %swap3A_19 = vector.load %arg4[%swap3A, %swap3A_18] : memref<1000x128xf32, #tpu.memory_space<vmem>>, vector<1000x128xf32>
    tpu.vector_store %arg4[%swap3A, %swap3A_18], %add3A_17 {strides = array<i32>} : memref<1000x128xf32, #tpu.memory_space<vmem>>, vector<1000x128xf32>,
    return
  }
  func.func @transform_0(%arg0: i32) -> (i32, i32, i32) {
    %c0_i32 = arith.constant 0 : i32
    %c0_i32_0 = arith.constant 0 : i32
    %c0_i32_1 = arith.constant 0 : i32
    return %c0_i32, %arg0, %c0_i32_0 : i32, i32, i32
  }
  func.func @transform_1(%arg0: i32) -> (i32, i32) {
    %c0_i32 = arith.constant 0 : i32
    %c0_i32_0 = arith.constant 0 : i32
    %c0_i32_1 = arith.constant 0 : i32
    return %c0_i32, %c0_i32_0 : i32, i32
  }
  func.func @transform_2(%arg0: i32) -> (i32, i32) {
    %c0_i32 = arith.constant 0 : i32
    %c0_i32_0 = arith.constant 0 : i32
    %c0_i32_1 = arith.constant 0 : i32
    return %c0_i32, %c0_i32_0 : i32, i32
  }
  func.func @transform_3(%arg0: i32) -> (i32, i32) {
    %c0_i32 = arith.constant 0 : i32
    %c0_i32_0 = arith.constant 0 : i32
    return %arg0, %c0_i32 : i32, i32
  }
}

</mosaic_0001>

<sc_bundles>
// kernel: kernel.4.cloned.1.call-start
scs
__scs_entry_jumppad:
0x0: {  	(pc) =	sbr.rel $0x88, $3  }
0x1: {  	(tag) =	ssettag $0x0;
	lr =	simm.s32 $0x1  }
0x2: {  	[smem:$0x3F9D] =	sst lr;
	_ =	strace $0xD0000000  }
0x3: {  	_ = 	snop  }
0x4: {  	_ = 	snop  }
0x5: {  	_ = 	snop  }
0x6: {  	_ = 	snop  }
0x7: {  	_ = 	snop  }
__scs_overlays_trampoline_lowered:
0x8: {  	[smem:$0x3FAC] =	sst s0  }
0x9: {  	[smem:$0x3FAD] =	sst s1  }
0xa: {  	[smem:$0x3FAE] =	sst s2  }
0xb: {  	[smem:$0x3FAF] =	sst s3  }
0xc: {  	[smem:$0x3FB0] =	sst s4  }
0xd: {  	[smem:$0x3FB1] =	sst s5  }
0xe: {  	[smem:$0x3FB2] =	sst s6  }
0xf: {  	[smem:$0x3FB3] =	sst s7  }
0x10: {  	[smem:$0x3FB4] =	sst s8  }
0x11: {  	[smem:$0x3FB5] =	sst s9;
	s0 =	simm.s32 @!p0 $0x0  }
0x12: {  	s1 =	sld [smem:$0x3F9B];
	s0 =	simm.s32 @p0 $0x1  }
0x13: {  	[smem:$0x3FB6] =	sst s0;
	s0 =	simm.s32 @!p1 $0x0  }
0x14: {  	s2 =	sld [smem:$0x3F9A];
	s0 =	simm.s32 @p1 $0x1  }
0x15: {  	[smem:$0x3FB7] =	sst s0;
	s0 =	simm.s32 @!p2 $0x0  }
0x16: {  	s3 =	sld [smem:$0x3FDB];
	s0 =	simm.s32 @p2 $0x1  }
0x17: {  	s4 =	simm.s32 $0x1BF5;
	[smem:$0x3FB9] =	sst s0  }
0x18: {  	s0 =	sld [smem:$0x3F9C];
	_ =	swait.ge [sflag:s4], $0x0  }
0x19: {  	s7 =	sld [smem:$0x3F9D]  }
0x1a: {  	s8 =	sadd.s32 $0xFFFFE003, lr  }
0x1b: {  	s9 =	sadd.s32 $0xFFFFFEF7, lr;
	s5 =	simm.s32 $0xFFFFFFFF;
	p2 =	slt.u32 s8, $0xFFFFF086  }
0x1c: {  	p1 =	slt.u32 s9, $0xF7A;
	s5 =	simm.s32 @!p2 $0x0  }
0x1d: {  	s5 =	simm.s32 @p1 $0x1;
	p0 =	seq.s32 s7, s2  }
0x1e: {  	s7 =	smul.u32 @!p0 $0xF7A, s2;
	p2 =	seq.s32 @!p0 s5, $0x0  }
0x1f: {  	s9 =	smul.u32 $0xF7A, s1;
	s8 =	simm.s32 @!p0 $0x1BF5;
	p2 =	por !p2, p0  }
0x20: {  	[sflag:s8] =	ssyncset.s32 @!p0 $0xFFFFF086;
	s6 =	sadd.s32 @!p0 s3, s7;
	s7 =	simm.s32 @!p0 $0x108  }
0x21: {  	s3 =	sadd.s32 s3, s9;
	s6 =	sadd.s32 @!p0 $0x88, s6;
	s7 =	simm.s32 @p2 $0x1082  }
0x22: {  	[simem:s7], [sflag:s8] =	dma.local @!p0 [hbm:s6], $0xF7A  }
0x23: {  	s9 =	sor.u32 $0xD0000000, s2;
	s6 =	simm.s32 $0x108;
	_ =	swait.ge @!p0 [sflag:s8], $0x0  }
0x24: {  	s3 =	sadd.s32 $0x88, s3;
	s6 =	simm.s32 @!p1 $0x1082;
	[sflag:s4] =	ssyncset.s32 $0xFFFFF086  }
0x25: {  	[simem:s6], [sflag:s4] =	dma.local [hbm:s3], $0xF7A  }
0x26: {  	[smem:$0x3F9D] =	sst s1;
	(tag) =	ssettag s2;
	_ =	strace s9  }
0x27: {  	s1 =	sld [smem:$0x3FAD]  }
0x28: {  	s2 =	sld [smem:$0x3FAE]  }
0x29: {  	s4 =	sld [smem:$0x3FB0]  }
0x2a: {  	p0 =	seq.s32 s5, $0x0;
	s5 =	sld [smem:$0x3FB1]  }
0x2b: {  	s6 =	sld [smem:$0x3FB2]  }
0x2c: {  	s7 =	sld [smem:$0x3FB3]  }
0x2d: {  	s3 =	simm.s32 $0x108;
	s8 =	sld [smem:$0x3FB4]  }
0x2e: {  	s3 =	simm.s32 @!p0 $0x1082;
	s9 =	sld [smem:$0x3FB5]  }
0x2f: {  	lr =	sadd.s32 s0, s3;
	s0 =	sld [smem:$0x3FAC]  }
0x30: {  	s3 =	sld [smem:$0x3FAF]  }
0x31: {  	[smem:$0x3FB8] =	sst s10  }
0x32: {  	s10 =	sld [smem:$0x3FB6];
	_ =	sdelay $0x3  }
0x33: {  	p0 =	seq.s32 s10, $0x1;
	s10 =	sld [smem:$0x3FB8];
	_ =	sdelay $0x3  }
0x34: {  	[smem:$0x3FB8] =	sst s10  }
0x35: {  	s10 =	sld [smem:$0x3FB7];
	_ =	sdelay $0x3  }
0x36: {  	p1 =	seq.s32 s10, $0x1;
	s10 =	sld [smem:$0x3FB8];
	_ =	sdelay $0x3  }
0x37: {  	[smem:$0x3FB8] =	sst s10  }
0x38: {  	s10 =	sld [smem:$0x3FB9]  }
0x39: {  	_ = 	snop;
	(pc) =	sbr.ind lr, $3  }
0x3a: {  	_ = 	snop  }
0x3b: {  	_ = 	snop  }
0x3c: {  	p2 =	seq.s32 s10, $0x1;
	s10 =	sld [smem:$0x3FB8]  }
0x3d: {  	_ =	shalt  }
0x3e: {  	_ =	shalt  }
0x3f: {  	_ =	shalt  }
0x40: {  	_ =	shalt  }
0x41: {  	_ =	shalt  }
0x42: {  	_ =	shalt  }
0x43: {  	_ =	shalt  }
0x44: {  	_ =	shalt  }
0x45: {  	_ =	shalt  }
0x46: {  	_ =	shalt  }
0x47: {  	_ =	shalt  }
0x48: {  	_ =	shalt  }
0x49: {  	_ =	shalt  }
0x4a: {  	_ =	shalt  }
0x4b: {  	_ =	shalt  }
0x4c: {  	_ =	shalt  }
0x4d: {  	_ =	shalt  }
0x4e: {  	_ =	shalt  }
0x4f: {  	_ =	shalt  }
0x50: {  	_ =	shalt  }
0x51: {  	_ =	shalt  }
0x52: {  	_ =	shalt  }
0x53: {  	_ =	shalt  }
0x54: {  	_ =	shalt  }
0x55: {  	_ =	shalt  }
0x56: {  	_ =	shalt  }
0x57: {  	_ =	shalt  }
0x58: {  	_ =	shalt  }
0x59: {  	_ =	shalt  }
0x5a: {  	_ =	shalt  }
0x5b: {  	_ =	shalt  }
0x5c: {  	_ =	shalt  }
0x5d: {  	_ =	shalt  }
0x5e: {  	_ =	shalt  }
0x5f: {  	_ =	shalt  }
0x60: {  	_ =	shalt  }
0x61: {  	_ =	shalt  }
0x62: {  	_ =	shalt  }
0x63: {  	_ =	shalt  }
0x64: {  	_ =	shalt  }
0x65: {  	_ =	shalt  }
0x66: {  	_ =	shalt  }
0x67: {  	_ =	shalt  }
0x68: {  	_ =	shalt  }
0x69: {  	_ =	shalt  }
0x6a: {  	_ =	shalt  }
0x6b: {  	_ =	shalt  }
0x6c: {  	_ =	shalt  }
0x6d: {  	_ =	shalt  }
0x6e: {  	_ =	shalt  }
0x6f: {  	_ =	shalt  }
0x70: {  	_ =	shalt  }
0x71: {  	_ =	shalt  }
0x72: {  	_ =	shalt  }
0x73: {  	_ =	shalt  }
0x74: {  	_ =	shalt  }
0x75: {  	_ =	shalt  }
0x76: {  	_ =	shalt  }
0x77: {  	_ =	shalt  }
0x78: {  	_ =	shalt  }
0x79: {  	_ =	shalt  }
0x7a: {  	_ =	shalt  }
0x7b: {  	_ =	shalt  }
0x7c: {  	_ =	shalt  }
0x7d: {  	_ =	shalt  }
0x7e: {  	_ =	shalt  }
0x7f: {  	_ =	shalt  }
0x80: {  	_ =	shalt  }
0x81: {  	_ =	shalt  }
0x82: {  	_ =	shalt  }
0x83: {  	_ =	shalt  }
0x84: {  	_ =	shalt  }
0x85: {  	_ =	shalt  }
0x86: {  	_ =	shalt  }
0x87: {  	_ =	shalt  }
.Lfunc_end0:
.L_simem_size_0:
called_computation_lowered:
.L_overlay_start_0:
0x88: {  	s2 =	sld [smem:$0x3FD9]  }
0x89: {  	s3 =	sld [smem:$0x3FFE];
	_ =	sdelay $0x1  }
0x8a: {  	s1 =	srdreg.scid  }
0x8b: {  	s0 =	sand.u32 $0x1, s1  }
0x8c: {  	s17 =	sshll.u32 s0, $0xA;
	s2 =	sadd.s32 s3, s2  }
0x8d: {  	s2 =	sadd.s32 s2, s17  }
0x8e: {  	[smem:$0x3FC4] =	sst s2  }
0x8f: {  	_ = 	snop  }
0x90: {  	s2 =	sld [smem:$0x3FC9]  }
0x91: {  	s18 =	sld [smem:$0x3FC8];
	(tm) =	ssettm $0x1  }
0x92: {  	s4 =	sld [smem:$0x3FFB];
	_ =	sdelay $0x3  }
0x93: {  	_ =	strace s4  }
0x94: {  	s4 =	sld [smem:$0x3FFC];
	_ =	sdelay $0x3  }
0x95: {  	_ =	strace s4  }
0x96: {  	s4 =	sld [smem:$0x3FFD];
	_ =	sdelay $0x3  }
0x97: {  	_ =	strace s4  }
0x98: {  	_ =	strace $0x8FFFFFFF  }
0x99: {  	s19 =	sld [smem:$0x3FDB];
	_ =	sdelay $0x1  }
0x9a: {  	s5 =	simm.s32 $_scs_section_size  }
0x9b: {  	s6 =	simm.s32 $_size__tile_overlayer_lowered;
	s7 =	simm.s32 $_tile_overlayer_lowered  }
0x9c: {  	s22 =	simm.s32 $0x1BFF;
	s21 =	sshll.u32 s7, $0x1;
	s4 =	sadd.s32 s5, s19  }
0x9d: {  	s8 =	simm.s32 $0x0;
	s20 =	sshll.u32 s6, $0x1;
	s6 =	sadd.s32 s21, s4  }
0x9e: {  	[timem:s8], [sflag:s22] =	dma.local [hbm:s6], s20  }
0x9f: {  	_ =	swait.ge [sflag:s22], s20  }
0xa0: {  	s5 =	ssub.s32 $0x0, s20;
	[sflag:s22] =	ssyncset.done $0x0  }
0xa1: {  	[sflag:s22] =	ssyncadd.s32 s5;
	_ =	sdelay $0x1  }
0xa2: {  	s23 =	simm.s32 $0x1B8B  }
0xa3: {  	_ =	swait.ge [sflag:s23], $0x1  }
0xa4: {  	[sflag:s23] =	ssyncset.done $0x0  }
0xa5: {  	s25 =	simm.s32 $0x1B8E;
	s24 =	sld [smem:$0x3FFE];
	[sflag:s23] =	ssyncadd.s32 $0xFFFFFFFF  }
0xa6: {  	s26 =	simm.s32 $execute0_lowered;
	[smem:$0x3FD2] =	sst s25  }
0xa7: {  	s6 =	sshll.u32 s26, $0x1;
	_ =	strace $0x80000046;
	[dreg:$0x1] =	wrdreg $0xFFFFFFFF  }
0xa8: {  	s28 =	simm.s32 $_size_execute0_lowered;
	s4 =	sadd.s32 s4, s6;
	[dreg:$0x0] =	wrdreg $0x0  }
0xa9: {  	s6 =	sshll.u32 s28, $0x1;
	[dreg:$0x2] =	wrdreg s4  }
0xaa: {  	[dreg:$0x3] =	wrdreg s6  }
0xab: {  	[dreg:$0x4] =	wrdreg $0xC0  }
0xac: {  	_ =	task [dreg:s8], $0x5FFFF  }
0xad: {  	[dreg:$0x1] =	wrdreg $0xFFFFFFFF  }
0xae: {  	[dreg:$0x0] =	wrdreg $0x60  }
0xaf: {  	[dreg:$0x2] =	wrdreg s2  }
0xb0: {  	[dreg:$0x3] =	wrdreg s18  }
0xb1: {  	[dreg:$0x4] =	wrdreg s24  }
0xb2: {  	[dreg:$0x5] =	wrdreg $0xC4000  }
0xb3: {  	[dreg:$0x6] =	wrdreg $0x9  }
0xb4: {  	_ =	task.clear_ibuf [dreg:s8], $0x7FFFF;
	_ =	strace $0x90000046  }
0xb5: {  	s29 =	simm.s32 $0x9;
	_ =	strace $0x80000048  }
0xb6: {  	_ =	swait.ge [sflag:s29], $0x1  }
0xb7: {  	[sflag:s29] =	ssyncadd.s32 $0xFFFFFFFF  }
0xb8: {  	_ =	strace $0x90000048  }
0xb9: {  	_ =	sfence  }
0xba: {  	s30 =	sld [smem:$0x0];
	_ =	sdelay $0x2  }
0xbb: {  	s31 =	sshll.u32 s1, $0xD;
	s1 =	sshrl.u32 s1, $0x2  }
0xbc: {  	s3 =	sand.u32 $0x4000, s31;
	s1 =	sadd.s32 s1, s30  }
0xbd: {  	s0 =	sor.u32 s3, s0;
	s1 =	sshll.u32 s1, $0x11  }
0xbe: {  	s0 =	sor.u32 s1, s0  }
0xbf: {  	s0 =	sadd.s32 $0x8F2B, s0  }
0xc0: {  	[sflag:s0] =	ssyncadd.remote.s32 $0x1  }
0xc1: {  	_ =	sfence.sel $0xFFFF  }
0xc2: {  	[dreg:$0x0] =	wrdreg $0xFFFFFFFF;
	(pc) =	sbr.abs _section_cstart, $3  }
0xc3: {  	[dreg:$0x1] =	wrdreg $0xFFFFFFFF  }
0xc4: {  	_ =	task.clear_ibuf [dreg:s8], $0x2FFFF;
	_ =	strace $0x9FFFFFFF  }
0xc5: {  	(tm) =	ssettm $0x7FFFFFFF  }
tec
execute0_lowered:
.L_overlay_start_1:
0x0: {  	(tag) =	ssettag $0x1  }
0x1: {  	s1 =	rddreg [dreg:$0x0]  }
0x2: {  	s0 =	rddreg [dreg:$0x1]  }
0x3: {  	s2 =	rddreg [dreg:$0x2]  }
0x4: {  	s3 =	rddreg [dreg:$0x3]  }
0x5: {  	s14 =	stileid.u32;
	s5 =	srdreg.scid;
	s4 =	simm.s32 $0x0  }
0x6: {  	s17 =	simm.s32 $0x200;
	s19 =	simm.s32 $0x1;
	s20 =	simm.s32 $0x80  }
0x7: {  	s21 =	simm.s32 $0x2;
	s6 =	smul.u32 $0x13C00, s14;
	s9 =	sand.u32 $0x1, s5  }
0x8: {  	[smem:$0x7FF] =	sst s4;
	s12 =	smul.u32 $0x4F000, s14;
	s24 =	sshll.u32 s14, $0x6  }
0x9: {  	s5 =	smul.u32 $0x13C000, s9;
	_ =	strace $0x80000047;
	s22 =	sshll.u32 s9, $0x4  }
0xa: {  	s8 =	ssub.s32 $0x2, s9;
	s28 =	smul.u32 $0x4E0, s9;
	s7 =	sshrl.u32 s6, $0x3  }
0xb: {  	s10 =	sshrl.u32 s8, $0x1;
	s23 =	sshrl.u32 s12, $0x2;
	s7 =	sadd.s32 s7, s2  }
0xc: {  	s5 =	sadd.s32 s6, s5;
	s6 =	sor.u32 s14, s22;
	s10 =	ssub.s32 s8, s10  }
0xd: {  	s15 =	sadd.s32 s23, s3;
	s14 =	smul.u32 $0x4E, s14;
	s5 =	sshrl.u32 s5, $0x3  }
0xe: {  	s11 =	smul.u32 $0x4E, s6;
	p0 =	slt.u32 s6, $0x4;
	s13 =	smin.u32 s6, $0x4  }
0xf: {  	s25 =	sadd.s32 $0xA00, s7;
	s7 =	sor.u32 $0x1C08, s24;
	s29 =	smax.u32 s10, $0x1  }
0x10: {  	s15 =	sshrl.u32 s15, $0x3;
	s24 =	simm.s32 $0x8;
	[dreg:$0x6] =	wrdreg s25  }
0x11: {  	s2 =	sadd.s32 s5, s2;
	s5 =	simm.s32 $0x4F;
	[dreg:$0x8] =	wrdreg s29  }
0x12: {  	s14 =	sadd.s32 s14, s28;
	s25 =	simm.s32 $0x0;
	s5 =	simm.s32 @!p0 $0x4E  }
0x13: {  	s11 =	sadd.s32 s13, s11;
	s2 =	sadd.s32 $0x28200, s2;
	s13 =	sadd.s32 s13, s14  }
0x14: {  	[dreg:$0x7] =	wrdreg s2;
	s26 =	sshll.u32 s11, $0x5;
	s30 =	ssub.s32 $0x0, s5  }
0x15: {  	s31 =	sshll.u32 s13, $0x5;
	s11 =	sadd.s32 $0x20, s26;
	s10 =	sadd.s32 s0, s26  }
0x16: {  	s16 =	sadd.s32 $0x40, s26;
	s2 =	sadd.s32 $0x60, s26;
	s11 =	sand.u32 $0x1FFFFFE0, s11  }
0x17: {  	s16 =	sand.u32 $0x1FFFFFE0, s16;
	s2 =	sand.u32 $0x1FFFFFE0, s2;
	s11 =	sadd.s32 s0, s11  }
0x18: {  	s12 =	sadd.s32 s0, s16;
	s13 =	sadd.s32 s0, s2;
	s0 =	sadd.s32 s0, s31  }
0x19: {  	[dreg:$0x5] =	wrdreg s30;
	s16 =	simm.s32 $0x100;
	s14 =	sadd.s32 $0x80, s0  }
.LBB2_1:
0x1a: {  	s0 =	rddreg [dreg:$0x6]  }
0x1b: {  	[spmem:s15], [sflag:s7] =	dma.local [hbm:s0], $0x2780  }
0x1c: {  	_ =	swait.ge [sflag:s24], $0x2780  }
0x1d: {  	[sflag:s24] =	ssyncset.done $0x0  }
0x1e: {  	[sflag:s24] =	ssyncadd.s32 $0xFFFFD880  }
0x1f: {  	[bflag:$0x0] =	sbarrier.arrive $0xFFFF  }
0x20: {  	[tilespmem:s4], [sflag:$0x1] =	stream.linear.gather [hbm4b:s10+s4], $0x100, $0x38;
	v63 =	vld [tilespmem:$0x0]  }
0x21: {  	_ = 	snop  }
0x22: {  	[tilespmem:s16], [sflag:$0x2] =	stream.linear.gather [hbm4b:s11+s4], $0x100, $0x38;
	v63 =	vld [tilespmem:$0x0]  }
0x23: {  	_ = 	snop  }
0x24: {  	[tilespmem:s17], [sflag:$0x3] =	stream.linear.gather [hbm4b:s12+s4], $0x100, $0x38;
	v63 =	vld [tilespmem:$0x0]  }
0x25: {  	s18 =	simm.s32 $0x300  }
0x26: {  	[tilespmem:s18], [sflag:$0x4] =	stream.linear.gather [hbm4b:s13+s4], $0x100, $0x38;
	v63 =	vld [tilespmem:$0x0]  }
0x27: {  	_ =	swait.ge [sflag:s19], $0x100  }
0x28: {  	[sflag:s19] =	ssyncset.done $0x0  }
0x29: {  	s26 =	simm.s32 $0x400;
	[sflag:s19] =	ssyncadd.s32 $0xFFFFFF00  }
0x2a: {  	[tilespmem:s26], [sflag:$0x5] =	stream.indirect.gather [hbm4b:s1+s20], $0x80, s4, s20, $0xb8;
	v63 =	vld [tilespmem:$0x0]  }
0x2b: {  	_ =	swait.ge [sflag:s21], $0x100  }
0x2c: {  	s22 =	simm.s32 $0x4400;
	[sflag:s21] =	ssyncset.done $0x0  }
0x2d: {  	s23 =	simm.s32 $0x8400;
	s18 =	simm.s32 $0x3;
	[sflag:s21] =	ssyncadd.s32 $0xFFFFFF00  }
0x2e: {  	[tilespmem:s22], [sflag:$0x6] =	stream.indirect.gather [hbm4b:s1+s20], $0x80, s16, s20, $0xb8;
	v63 =	vld [tilespmem:$0x0]  }
0x2f: {  	s28 =	simm.s32 $0xC400;
	s29 =	simm.s32 $0x5;
	_ =	swait.ge [sflag:s18], $0x100  }
0x30: {  	s30 =	simm.s32 $0x0;
	s31 =	smov.u32 s14;
	[sflag:s18] =	ssyncset.done $0x0  }
0x31: {  	s2 =	simm.s32 $0x0;
	s0 =	simm.s32 $0x8;
	[sflag:s18] =	ssyncadd.s32 $0xFFFFFF00  }
0x32: {  	[tilespmem:s23], [sflag:$0x7] =	stream.indirect.gather [hbm4b:s1+s20], $0x80, s17, s20, $0xb8;
	v63 =	vld [tilespmem:$0x0]  }
.LBB2_2:
0x33: {  	s22 =	smulhi.u32 $0xAAAAAAAB, s2;
	_ =	sdelay $0x1  }
0x34: {  	s22 =	sshrl.u32 s22, $0x1  }
0x35: {  	s23 =	smul.u32 $0xFFFFFFF4, s22;
	_ =	sdelay $0x1  }
0x36: {  	s23 =	sshra.s32 s23, $0x2  }
0x37: {  	s22 =	smul.u32 $0xFFFD0000, s22;
	s23 =	sadd.s32 s23, s29  }
0x38: {  	s6 =	sand.u32 $0xC00, s30;
	s9 =	smulhi.u32 $0xAAAAAAAB, s18;
	_ =	swait.ge [sflag:s23], $0x4000  }
0x39: {  	s6 =	sshrl.u32 s6, $0x2;
	s22 =	sshra.s32 s22, $0x2;
	[sflag:s23] =	ssyncset.done $0x0  }
0x3a: {  	s6 =	sor.u32 $0x80, s6;
	s22 =	sadd.s32 s22, s26;
	[sflag:s23] =	ssyncadd.s32 $0xFFFFC000  }
0x3b: {  	[spmem:s3] =	stream.indirect.scatter.add.f32 [tilespmem:s22], [sflag:$0x8], $0x80, s6, s20, $0xb8;
	v63 =	vld [tilespmem:$0x0]  }
0x3c: {  	s23 =	sadd.s32 $0xFFFFFFFD, s18;
	s22 =	sadd.s32 $0x1, s18  }
0x3d: {  	s6 =	sshrl.u32 s9, $0x1;
	_ =	swait.ge [sflag:s24], $0x4000;
	p0 =	sge.u32 s22, s5  }
0x3e: {  	[sflag:s24] =	ssyncset.done $0x0;
	s23 =	sand.u32 @!p0 $0x3, s23;
	s9 =	simm.s32 @!p0 $0x0  }
0x3f: {  	[sflag:s24] =	ssyncadd.s32 $0xFFFFC000;
	s8 =	sshll.u32 @!p0 s23, $0x8;
	s23 =	sadd.s32 @!p0 $0x1, s23  }
0x40: {  	[tilespmem:s8], [sflag:s23] =	stream.linear.gather @!p0 [hbm4b:s31+s9], $0x100, $0x38;
	v63 =	vld [tilespmem:$0x0]  }
0x41: {  	s23 =	smul.u32 $0xFFFFFFF4, s6  }
0x42: {  	p0 =	sge.u32 s18, s5;
	s6 =	smul.u32 $0xFFFD0000, s6  }
0x43: {  	s9 =	sand.u32 @!p0 $0x3, s18  }
0x44: {  	s8 =	sshra.s32 s23, $0x2;
	s18 =	sadd.s32 @!p0 $0x1, s9;
	s6 =	sshra.s32 s6, $0x2  }
0x45: {  	s9 =	sshll.u32 @!p0 s9, $0x8;
	s8 =	sadd.s32 s8, s0;
	_ =	swait.ge @!p0 [sflag:s18], $0x100  }
0x46: {  	s6 =	sadd.s32 s6, s28;
	[sflag:s18] =	ssyncset.done @!p0 $0x0;
	s23 =	rddreg [dreg:$0x5]  }
0x47: {  	[sflag:s18] =	ssyncadd.s32 @!p0 $0xFFFFFF00;
	s18 =	simm.s32 @!p0 $0x80;
	s23 =	sadd.s32 s22, s23  }
0x48: {  	[tilespmem:s6], [sflag:s8] =	stream.indirect.gather @!p0 [hbm4b:s1+s18], $0x80, s9, s18, $0xb8;
	v63 =	vld [tilespmem:$0x0]  }
0x49: {  	p0 =	sne.s32 s23, $0x3  }
.Ltmp0:
0x4a: {  	_ = 	snop;
	(pc) =	sbr.rel @p0 .LBB2_2-.Ltmp0, $4  }
0x4b: {  	_ = 	snop  }
0x4c: {  	s2 =	sadd.s32 $0x1, s2;
	s30 =	sadd.s32 $0x400, s30  }
0x4d: {  	s29 =	sadd.s32 $0x1, s29;
	s26 =	sadd.s32 $0x4000, s26;
	s31 =	sadd.s32 $0x20, s31  }
0x4e: {  	s0 =	sadd.s32 $0x1, s0;
	s28 =	sadd.s32 $0x4000, s28;
	s18 =	smov.u32 s22  }
0x4f: {  	[bflag:$0x0] =	sbarrier.arrive $0xFFFF  }
0x50: {  	s0 =	rddreg [dreg:$0x7]  }
0x51: {  	[hbm:s0], [sflag:s7] =	dma.local [spmem:s15], $0x2780  }
0x52: {  	_ =	swait.ge [sflag:s24], $0x2780  }
0x53: {  	s25 =	sadd.s32 $0x1, s25;
	s31 =	rddreg [dreg:$0x8]  }
0x54: {  	p0 =	sne.s32 s25, s31  }
.Ltmp1:
0x55: {  	_ = 	snop;
	(pc) =	sbr.rel @p0 .LBB2_1-.Ltmp1, $3  }
0x56: {  	_ =	sdelay $0x1  }
0x57: {  	[sflag:s24] =	ssyncset.done $0x0  }
0x58: {  	[sflag:s24] =	ssyncadd.s32 $0xFFFFD880  }
0x59: {  	_ =	sfence.sel $0x180000  }
0x5a: {  	[bflag:$0x0] =	sbarrier.arrive $0xFFFF  }
0x5b: {  	_ =	strace $0x90000047  }
0x5c: {  	s0 =	stileid.u32;
	[bflag:$0x2] =	sbarrier.arrive $0xFFFF  }
0x5d: {  	p0 =	sne.s32 s0, $0x0;
	s0 =	rddreg [dreg:$0x4]  }
0x5e: {  	s0 =	sadd.s32 @!p0 $0x100000, s0  }
0x5f: {  	[sflag:s0] =	ssyncadd.tile.s32 @!p0 $0x1;
	_ =	shalt  }
.Lfunc_end2:
_tile_overlayer_lowered:
.L_overlay_start_2:
0x60: {  	(tag) =	ssettag $0x2  }
0x61: {  	s0 =	rddreg [dreg:$0x0];
	s2 =	stileid.u32  }
0x62: {  	s1 =	rddreg [dreg:$0x1];
	p0 =	sne.s32 s2, $0x0  }
0x63: {  	s3 =	rddreg [dreg:$0x2];
	[bflag:$0x3] =	sbarrier.arrive $0xFFFF;
	s2 =	simm.s32 @!p0 $0x1C08  }
0x64: {  	[timem:s3], [sflag:s2] =	dma.local @!p0 [hbm:s0], s1  }
0x65: {  	s0 =	simm.s32 @!p0 $0x8  }
0x66: {  	_ =	swait.ge @!p0 [sflag:s0], s1  }
0x67: {  	s1 =	ssub.s32 @!p0 $0x0, s1;
	[sflag:s0] =	ssyncset.done @!p0 $0x0  }
0x68: {  	[sflag:s0] =	ssyncadd.s32 @!p0 s1  }
0x69: {  	[bflag:$0x3] =	sbarrier.arrive $0xFFFF  }
0x6a: {  	_ =	shalt  }

</sc_bundles>
